<compile_context>
chip_gen: v7x
topology: tpu7x:2x2x1
jax: 0.10.2.dev20260603
libtpu: 0.0.44.dev20260713+nightly
codegen_flags: <defaults>
</compile_context>

<pallas_src>
import functools

import jax
import jax.numpy as jnp
from jax import lax
from jax.experimental import pallas as pl
from jax.experimental.pallas import tpu as pltpu
from jax.experimental.pallas import tpu_sc as plsc

_NCLS = 1000
_NS = 5
_HID = 512
_XD = 64
_B = 1024
_POS_INF = 1e6
_DN = (((1,), (0,)), ((), ()))
_HI = jax.lax.Precision.HIGHEST

_SC_NC = 2
_SC_NS = 16
_SC_NW = _SC_NC * _SC_NS
_ROWS_PER_W = (2 * _B) // _SC_NW


def _stage1_kernel(x_ref, xt_ref, z_ref, attrs_ref, w1_ref, b1_ref, w2_ref,
                   b2_ref, cent_ref, idx_ref):
    w1 = w1_ref[:]
    w2 = w2_ref[:]
    b1 = b1_ref[:]
    attrs = attrs_ref[:]
    xfsum = jnp.zeros((_NCLS, _XD), jnp.float32)
    for s in range(_NS):
        z_s = z_ref[pl.ds(s * _NCLS, _NCLS), :]
        g_s = jnp.concatenate([z_s, attrs], axis=1)
        h_s = jnp.maximum(jax.lax.dot_general(g_s, w1, _DN) + b1, 0.0)
        xfsum = xfsum + jax.lax.dot_general(h_s, w2, _DN)
    cent = xfsum * jnp.float32(1.0 / _NS) + b2_ref[:]
    cent_ref[:] = jnp.concatenate(
        [cent, jnp.zeros((_NCLS, _XD), jnp.float32)], axis=1)

    cn = jnp.sum(cent * cent, axis=1, keepdims=True)
    cx = jax.lax.dot_general(cent, xt_ref[:], _DN, precision=_HI)
    s_hat = cn - (cx + cx)

    big = jnp.int32(2 ** 30)
    row = jax.lax.broadcasted_iota(jnp.int32, s_hat.shape, 0)
    v1 = jnp.min(s_hat, axis=0, keepdims=True)
    i1 = jnp.min(jnp.where(s_hat == v1, row, big), axis=0, keepdims=True)
    masked = jnp.where(row == i1, jnp.float32(jnp.inf), s_hat)
    v2 = jnp.min(masked, axis=0, keepdims=True)
    i2 = jnp.min(jnp.where(masked == v2, row, big), axis=0, keepdims=True)
    idx_ref[0:1, :] = i1
    idx_ref[1:2, :] = i2


_sc_mesh = plsc.VectorSubcoreMesh(core_axis_name="c", subcore_axis_name="s")


@functools.partial(
    pl.kernel,
    mesh=_sc_mesh,
    out_type=jax.ShapeDtypeStruct((2 * _B, 2 * _XD), jnp.float32),
    scratch_types=[
        pltpu.VMEM((_ROWS_PER_W,), jnp.int32),
        pltpu.VMEM((_ROWS_PER_W, 2 * _XD), jnp.float32),
        pltpu.SemaphoreType.DMA,
    ],
)
def _sc_gather(cent_hbm, idx_hbm, out_hbm, idx_v, rows_v, sem):
    wid = lax.axis_index("s") * _SC_NC + lax.axis_index("c")
    base = wid * _ROWS_PER_W
    pltpu.sync_copy(idx_hbm.at[pl.ds(base, _ROWS_PER_W)], idx_v)
    pltpu.async_copy(cent_hbm.at[idx_v], rows_v, sem).wait()
    pltpu.sync_copy(rows_v, out_hbm.at[pl.ds(base, _ROWS_PER_W)])


def _stage3_kernel(x_ref, c12_ref, idx_ref, out_ref):
    x = x_ref[:]
    c1 = c12_ref[pl.ds(0, _B), pl.ds(0, _XD)]
    c2 = c12_ref[pl.ds(_B, _B), pl.ds(0, _XD)]
    diff1 = c1 - x
    d1 = jnp.sum(diff1 * diff1, axis=-1, keepdims=True)
    diff2 = c2 - x
    d2 = jnp.sum(diff2 * diff2, axis=-1, keepdims=True)
    i1c = jnp.transpose(idx_ref[0:1, :].astype(jnp.float32)).astype(jnp.int32)
    i2c = jnp.transpose(idx_ref[1:2, :].astype(jnp.float32)).astype(jnp.int32)
    w = jnp.where(d1 < d2, i1c,
                  jnp.where(d2 < d1, i2c, jnp.minimum(i1c, i2c)))
    col = jax.lax.broadcasted_iota(jnp.int32, (_B, _NCLS), 1)
    out_ref[:] = jnp.where(col == w, jnp.float32(_POS_INF), jnp.float32(0.0))


def kernel(x, attrs, z, G_W1, G_b1, G_W2, G_b2):
    cent, idx2 = pl.pallas_call(
        _stage1_kernel,
        out_shape=(
            jax.ShapeDtypeStruct((_NCLS, 2 * _XD), jnp.float32),
            jax.ShapeDtypeStruct((2, _B), jnp.int32),
        ),
        compiler_params=pltpu.CompilerParams(vmem_limit_bytes=64 * 1024 * 1024),
    )(x, x.T, z, attrs, G_W1, G_b1.reshape(1, _HID), G_W2, G_b2.reshape(1, _XD))
    c12 = _sc_gather(cent, idx2.reshape(2 * _B))
    return pl.pallas_call(
        _stage3_kernel,
        out_shape=jax.ShapeDtypeStruct((_B, _NCLS), jnp.float32),
        compiler_params=pltpu.CompilerParams(vmem_limit_bytes=64 * 1024 * 1024),
    )(x, c12, idx2)

# --- scband reference (transcript-rebuilt; emitter-appended) ---
"""Pipeline reference for scband-feat-ganclassifier-76828374991138 (READ-ONLY COPY).

The authoritative reference and input builder live on the scoring server;
editing this copy changes nothing except your own understanding.
"""

import jax, jax.numpy as jnp
import numpy as np

NUM_CLASSES = 1000
X_DIM = 64
Z_DIM = 64
ATTR_DIM = 312
HIDDEN = 512
N_SAMP = 5
BATCH = 1024
POS_INF = 1e6


def setup_inputs(seed: int = 0) -> dict:
    key = jax.random.key(seed)
    ks = jax.random.split(key, 8)
    x = jax.random.normal(ks[0], (BATCH, X_DIM), dtype=jnp.float32)
    attrs = jax.random.uniform(ks[1], (NUM_CLASSES, ATTR_DIM), dtype=jnp.float32)
    z = jax.random.normal(ks[2], (N_SAMP * NUM_CLASSES, Z_DIM), dtype=jnp.float32)
    G_W1 = jax.random.normal(ks[3], (Z_DIM + ATTR_DIM, HIDDEN), dtype=jnp.float32) * 0.02
    G_b1 = jnp.zeros((HIDDEN,), dtype=jnp.float32)
    G_W2 = jax.random.normal(ks[4], (HIDDEN, X_DIM), dtype=jnp.float32) * 0.02
    G_b2 = jnp.zeros((X_DIM,), dtype=jnp.float32)
    return {"x": x, "attrs": attrs, "z": z, "G_W1": G_W1, "G_b1": G_b1, "G_W2": G_W2, "G_b2": G_b2}


def reference(x, attrs, z, G_W1, G_b1, G_W2, G_b2):
    # compute_class_centroids: generator on hallucinated z + repeated attrs
    attrs_rep = jnp.tile(attrs, (N_SAMP, 1))  # torch attrs.repeat(n_samp, 1)
    g_in = jnp.concatenate([z, attrs_rep], axis=1)
    h = jax.nn.relu(g_in @ G_W1 + G_b1)
    x_fake = h @ G_W2 + G_b2  # [N_SAMP*NUM_CLASSES, X_DIM]
    x_fake = x_fake.reshape(N_SAMP, NUM_CLASSES, X_DIM)
    centroids = x_fake.mean(axis=0)  # [NUM_CLASSES, X_DIM]
    # find_closest_centroid: broadcasted squared L2 distances (memory-bound)
    distances = jnp.sum((centroids[:, None, :] - x[None, :, :]) ** 2, axis=2)  # [NUM_CLASSES, BATCH]
    closest = jnp.argmin(distances, axis=0)  # [BATCH]
    # output_mask is all-ones in forward(), so closest_class_idx == closest
    pseudo_logits = jnp.zeros((x.shape[0], NUM_CLASSES), dtype=x.dtype)
    pseudo_logits = pseudo_logits.at[jnp.arange(x.shape[0]), closest].set(POS_INF)
    return pseudo_logits

if __name__ == "__main__":
    import jax
    _d = setup_inputs()
    print(jax.jit(kernel)(*tuple(_d.values())))

</pallas_src>

<mosaic_0001>
#map = affine_map<(d0, d1) -> (0, 0)>
#map1 = affine_map<(d0, d1) -> (0)>
module attributes {stable_mosaic.version = 14 : i64} {
  func.func @_sc_gather(%arg0: i32, %arg1: i32, %arg2: memref<1000x128xf32, #tpu.memory_space<hbm>>, %arg3: memref<2048xi32, #tpu.memory_space<hbm>>, %arg4: memref<2048x128xf32, #tpu.memory_space<hbm>>, %arg5: memref<64xi32, #tpu.memory_space<vmem>>, %arg6: memref<64x128xf32, #tpu.memory_space<vmem>>, %arg7: memref<!tpu.dma_semaphore, #tpu.memory_space<semaphore_mem>>) attributes {dimension_semantics = [#tpu.dimension_semantics<core_parallel>, #tpu.dimension_semantics<subcore_parallel>], iteration_bounds = array<i64: 2, 16>, scalar_prefetch = 0 : i64, scratch_operands = 3 : i64, tpu.core_type = #tpu.core_type<sc_vector_subcore>, window_params = [{transform_indices = #map}, {transform_indices = #map1}, {transform_indices = #map}]} {
    %mul3A = arith.constant 2 : i32
    %mul3A_0 = arith.muli %arg1, %mul3A : i32
    %add3A = arith.addi %mul3A_0, %arg0 : i32
    %mul3A_1 = arith.constant 64 : i32
    %mul3A_2 = arith.muli %add3A, %mul3A_1 : i32
    "tpu.region"() ({
      %run_scoped3A = tpu.sem_alloc : memref<!tpu.dma_semaphore, #tpu.memory_space<semaphore_mem>>
      %dma_start3A_7 = tpu.memref_slice %arg3[%mul3A_2] : memref<2048xi32, #tpu.memory_space<hbm>> -> memref<64xi32, #tpu.memory_space<hbm>>
      %dma_start3A_8 = tpu.memref_slice %arg3[%mul3A_2] : memref<2048xi32, #tpu.memory_space<hbm>> -> memref<64xi32, #tpu.memory_space<hbm>>
      tpu.enqueue_dma source(%dma_start3A_8 : memref<64xi32, #tpu.memory_space<hbm>>) target(%arg5 : memref<64xi32, #tpu.memory_space<vmem>>) target_semaphore(%run_scoped3A : memref<!tpu.dma_semaphore, #tpu.memory_space<semaphore_mem>>)
      %dma_wait3A_9 = tpu.memref_slice %arg3[%mul3A_2] : memref<2048xi32, #tpu.memory_space<hbm>> -> memref<64xi32, #tpu.memory_space<hbm>>
      %dma_wait3A_10 = tpu.memref_slice %arg3[%mul3A_2] : memref<2048xi32, #tpu.memory_space<hbm>> -> memref<64xi32, #tpu.memory_space<hbm>>
      tpu.wait_dma2 semaphore(%run_scoped3A : memref<!tpu.dma_semaphore, #tpu.memory_space<semaphore_mem>>) src(%dma_wait3A_10 : memref<64xi32, #tpu.memory_space<hbm>>) dst(%arg5 : memref<64xi32, #tpu.memory_space<vmem>>)
      tpu.yield
    }) : () -> ()
    %dma_start3A = arith.constant 0 : i32
    %dma_start3A_3 = arith.constant 0 : i32
    %dma_start3A_4 = tpu.memref_slice %arg2[%dma_start3A, %dma_start3A_3] : memref<1000x128xf32, #tpu.memory_space<hbm>> -> memref<1000x128xf32, #tpu.memory_space<hbm>>
    tpu.enqueue_indirect_dma source(%dma_start3A_4 : memref<1000x128xf32, #tpu.memory_space<hbm>>) target(%arg6 : memref<64x128xf32, #tpu.memory_space<vmem>>) offsets(%arg5 : memref<64xi32, #tpu.memory_space<vmem>>) semaphore(%arg7 : memref<!tpu.dma_semaphore, #tpu.memory_space<semaphore_mem>>)
    %dma_wait3A = arith.constant 0 : i32
    %dma_wait3A_5 = arith.constant 0 : i32
    %dma_wait3A_6 = tpu.memref_slice %arg2[%dma_wait3A, %dma_wait3A_5] : memref<1000x128xf32, #tpu.memory_space<hbm>> -> memref<1000x128xf32, #tpu.memory_space<hbm>>
    tpu.wait_indirect_dma semaphore(%arg7 : memref<!tpu.dma_semaphore, #tpu.memory_space<semaphore_mem>>) src(%dma_wait3A_6 : memref<1000x128xf32, #tpu.memory_space<hbm>>) dst(%arg6 : memref<64x128xf32, #tpu.memory_space<vmem>>)
    "tpu.region"() ({
      %run_scoped3A = tpu.sem_alloc : memref<!tpu.dma_semaphore, #tpu.memory_space<semaphore_mem>>
      %dma_start3A_7 = arith.constant 0 : i32
      %dma_start3A_8 = tpu.memref_slice %arg4[%mul3A_2, %dma_start3A_7] : memref<2048x128xf32, #tpu.memory_space<hbm>> -> memref<64x128xf32, #tpu.memory_space<hbm>>
      %dma_start3A_9 = arith.constant 0 : i32
      %dma_start3A_10 = tpu.memref_slice %arg4[%mul3A_2, %dma_start3A_9] : memref<2048x128xf32, #tpu.memory_space<hbm>> -> memref<64x128xf32, #tpu.memory_space<hbm>>
      tpu.enqueue_dma source(%arg6 : memref<64x128xf32, #tpu.memory_space<vmem>>) target(%dma_start3A_10 : memref<64x128xf32, #tpu.memory_space<hbm>>) target_semaphore(%run_scoped3A : memref<!tpu.dma_semaphore, #tpu.memory_space<semaphore_mem>>)
      %dma_wait3A_11 = arith.constant 0 : i32
      %dma_wait3A_12 = tpu.memref_slice %arg4[%mul3A_2, %dma_wait3A_11] : memref<2048x128xf32, #tpu.memory_space<hbm>> -> memref<64x128xf32, #tpu.memory_space<hbm>>
      %dma_wait3A_13 = arith.constant 0 : i32
      %dma_wait3A_14 = tpu.memref_slice %arg4[%mul3A_2, %dma_wait3A_13] : memref<2048x128xf32, #tpu.memory_space<hbm>> -> memref<64x128xf32, #tpu.memory_space<hbm>>
      tpu.wait_dma2 semaphore(%run_scoped3A : memref<!tpu.dma_semaphore, #tpu.memory_space<semaphore_mem>>) src(%arg6 : memref<64x128xf32, #tpu.memory_space<vmem>>) dst(%dma_wait3A_14 : memref<64x128xf32, #tpu.memory_space<hbm>>)
      tpu.yield
    }) : () -> ()
    return
  }
}

module attributes {stable_mosaic.version = 14 : i64} {
  func.func @_stage1_kernel(%arg0: memref<1024x64xf32, #tpu.memory_space<vmem>>, %arg1: memref<64x1024xf32, #tpu.memory_space<vmem>>, %arg2: memref<5000x64xf32, #tpu.memory_space<vmem>>, %arg3: memref<1000x312xf32, #tpu.memory_space<vmem>>, %arg4: memref<376x512xf32, #tpu.memory_space<vmem>>, %arg5: memref<1x512xf32, #tpu.memory_space<vmem>>, %arg6: memref<512x64xf32, #tpu.memory_space<vmem>>, %arg7: memref<1x64xf32, #tpu.memory_space<vmem>>, %arg8: memref<1000x128xf32, #tpu.memory_space<vmem>>, %arg9: memref<2x1024xi32, #tpu.memory_space<vmem>>) attributes {dimension_semantics = [], scalar_prefetch = 0 : i64, scratch_operands = 0 : i64, tpu.core_type = #tpu.core_type<tc>} {
    %get3A = arith.constant 0 : index
    %get3A_0 = arith.constant 0 : index
    %get3A_1 = vector.load %arg4[%get3A, %get3A_0] : memref<376x512xf32, #tpu.memory_space<vmem>>, vector<376x512xf32>
    %get3A_2 = arith.constant 0 : index
    %get3A_3 = arith.constant 0 : index
    %get3A_4 = vector.load %arg6[%get3A_2, %get3A_3] : memref<512x64xf32, #tpu.memory_space<vmem>>, vector<512x64xf32>
    %get3A_5 = arith.constant 0 : index
    %get3A_6 = arith.constant 0 : index
    %get3A_7 = vector.load %arg5[%get3A_5, %get3A_6] : memref<1x512xf32, #tpu.memory_space<vmem>>, vector<1x512xf32>
    %get3A_8 = arith.constant 0 : index
    %get3A_9 = arith.constant 0 : index
    %get3A_10 = vector.load %arg3[%get3A_8, %get3A_9] : memref<1000x312xf32, #tpu.memory_space<vmem>>, vector<1000x312xf32>
    %broadcast_in_dim3A = arith.constant 0.000000e+00 : f32
    %broadcast_in_dim3A_11 = vector.broadcast %broadcast_in_dim3A : f32 to vector<1000x64xf32>
    %get3A_12 = arith.constant 0 : index
    %get3A_13 = arith.constant 0 : index
    %get3A_14 = vector.load %arg2[%get3A_12, %get3A_13] : memref<5000x64xf32, #tpu.memory_space<vmem>>, vector<1000x64xf32>
    %concatenate3A = tpu.concatenate %get3A_14, %get3A_10 in 1 : vector<1000x64xf32>, vector<1000x312xf32> -> vector<1000x376xf32>
    %dot_general3A = arith.constant dense<0.000000e+00> : vector<1000x512xf32>
    %dot_general3A_15 = tpu.matmul %concatenate3A, %get3A_1, %dot_general3A {dimension_numbers = #tpu.dot_dimension_numbers<[1], [0], [0], [1], [0, 0, 1, 1], [], []>, transpose_lhs_hint = false} : vector<1000x376xf32>, vector<376x512xf32>, vector<1000x512xf32> -> vector<1000x512xf32>
    %add3A = vector.broadcast %get3A_7 : vector<1x512xf32> to vector<1000x512xf32>
    %add3A_16 = arith.addf %dot_general3A_15, %add3A : vector<1000x512xf32>
    %max3A = arith.constant 0.000000e+00 : f32
    %max3A_17 = vector.broadcast %max3A : f32 to vector<1000x512xf32>
    %max3A_18 = arith.maximumf %add3A_16, %max3A_17 : vector<1000x512xf32>
    %dot_general3A_19 = arith.constant dense<0.000000e+00> : vector<1000x64xf32>
    %dot_general3A_20 = tpu.matmul %max3A_18, %get3A_4, %dot_general3A_19 {dimension_numbers = #tpu.dot_dimension_numbers<[1], [0], [0], [1], [0, 0, 1, 1], [], []>, transpose_lhs_hint = false} : vector<1000x512xf32>, vector<512x64xf32>, vector<1000x64xf32> -> vector<1000x64xf32>
    %add3A_21 = arith.addf %broadcast_in_dim3A_11, %dot_general3A_20 : vector<1000x64xf32>
    %get3A_22 = arith.constant 1000 : index
    %get3A_23 = arith.constant 0 : index
    %get3A_24 = vector.load %arg2[%get3A_22, %get3A_23] : memref<5000x64xf32, #tpu.memory_space<vmem>>, vector<1000x64xf32>
    %concatenate3A_25 = tpu.concatenate %get3A_24, %get3A_10 in 1 : vector<1000x64xf32>, vector<1000x312xf32> -> vector<1000x376xf32>
    %dot_general3A_26 = arith.constant dense<0.000000e+00> : vector<1000x512xf32>
    %dot_general3A_27 = tpu.matmul %concatenate3A_25, %get3A_1, %dot_general3A_26 {dimension_numbers = #tpu.dot_dimension_numbers<[1], [0], [0], [1], [0, 0, 1, 1], [], []>, transpose_lhs_hint = false} : vector<1000x376xf32>, vector<376x512xf32>, vector<1000x512xf32> -> vector<1000x512xf32>
    %add3A_28 = vector.broadcast %get3A_7 : vector<1x512xf32> to vector<1000x512xf32>
    %add3A_29 = arith.addf %dot_general3A_27, %add3A_28 : vector<1000x512xf32>
    %max3A_30 = arith.constant 0.000000e+00 : f32
    %max3A_31 = vector.broadcast %max3A_30 : f32 to vector<1000x512xf32>
    %max3A_32 = arith.maximumf %add3A_29, %max3A_31 : vector<1000x512xf32>
    %dot_general3A_33 = arith.constant dense<0.000000e+00> : vector<1000x64xf32>
    %dot_general3A_34 = tpu.matmul %max3A_32, %get3A_4, %dot_general3A_33 {dimension_numbers = #tpu.dot_dimension_numbers<[1], [0], [0], [1], [0, 0, 1, 1], [], []>, transpose_lhs_hint = false} : vector<1000x512xf32>, vector<512x64xf32>, vector<1000x64xf32> -> vector<1000x64xf32>
    %add3A_35 = arith.addf %add3A_21, %dot_general3A_34 : vector<1000x64xf32>
    %get3A_36 = arith.constant 2000 : index
    %get3A_37 = arith.constant 0 : index
    %get3A_38 = vector.load %arg2[%get3A_36, %get3A_37] : memref<5000x64xf32, #tpu.memory_space<vmem>>, vector<1000x64xf32>
    %concatenate3A_39 = tpu.concatenate %get3A_38, %get3A_10 in 1 : vector<1000x64xf32>, vector<1000x312xf32> -> vector<1000x376xf32>
    %dot_general3A_40 = arith.constant dense<0.000000e+00> : vector<1000x512xf32>
    %dot_general3A_41 = tpu.matmul %concatenate3A_39, %get3A_1, %dot_general3A_40 {dimension_numbers = #tpu.dot_dimension_numbers<[1], [0], [0], [1], [0, 0, 1, 1], [], []>, transpose_lhs_hint = false} : vector<1000x376xf32>, vector<376x512xf32>, vector<1000x512xf32> -> vector<1000x512xf32>
    %add3A_42 = vector.broadcast %get3A_7 : vector<1x512xf32> to vector<1000x512xf32>
    %add3A_43 = arith.addf %dot_general3A_41, %add3A_42 : vector<1000x512xf32>
    %max3A_44 = arith.constant 0.000000e+00 : f32
    %max3A_45 = vector.broadcast %max3A_44 : f32 to vector<1000x512xf32>
    %max3A_46 = arith.maximumf %add3A_43, %max3A_45 : vector<1000x512xf32>
    %dot_general3A_47 = arith.constant dense<0.000000e+00> : vector<1000x64xf32>
    %dot_general3A_48 = tpu.matmul %max3A_46, %get3A_4, %dot_general3A_47 {dimension_numbers = #tpu.dot_dimension_numbers<[1], [0], [0], [1], [0, 0, 1, 1], [], []>, transpose_lhs_hint = false} : vector<1000x512xf32>, vector<512x64xf32>, vector<1000x64xf32> -> vector<1000x64xf32>
    %add3A_49 = arith.addf %add3A_35, %dot_general3A_48 : vector<1000x64xf32>
    %get3A_50 = arith.constant 3000 : index
    %get3A_51 = arith.constant 0 : index
    %get3A_52 = vector.load %arg2[%get3A_50, %get3A_51] : memref<5000x64xf32, #tpu.memory_space<vmem>>, vector<1000x64xf32>
    %concatenate3A_53 = tpu.concatenate %get3A_52, %get3A_10 in 1 : vector<1000x64xf32>, vector<1000x312xf32> -> vector<1000x376xf32>
    %dot_general3A_54 = arith.constant dense<0.000000e+00> : vector<1000x512xf32>
    %dot_general3A_55 = tpu.matmul %concatenate3A_53, %get3A_1, %dot_general3A_54 {dimension_numbers = #tpu.dot_dimension_numbers<[1], [0], [0], [1], [0, 0, 1, 1], [], []>, transpose_lhs_hint = false} : vector<1000x376xf32>, vector<376x512xf32>, vector<1000x512xf32> -> vector<1000x512xf32>
    %add3A_56 = vector.broadcast %get3A_7 : vector<1x512xf32> to vector<1000x512xf32>
    %add3A_57 = arith.addf %dot_general3A_55, %add3A_56 : vector<1000x512xf32>
    %max3A_58 = arith.constant 0.000000e+00 : f32
    %max3A_59 = vector.broadcast %max3A_58 : f32 to vector<1000x512xf32>
    %max3A_60 = arith.maximumf %add3A_57, %max3A_59 : vector<1000x512xf32>
    %dot_general3A_61 = arith.constant dense<0.000000e+00> : vector<1000x64xf32>
    %dot_general3A_62 = tpu.matmul %max3A_60, %get3A_4, %dot_general3A_61 {dimension_numbers = #tpu.dot_dimension_numbers<[1], [0], [0], [1], [0, 0, 1, 1], [], []>, transpose_lhs_hint = false} : vector<1000x512xf32>, vector<512x64xf32>, vector<1000x64xf32> -> vector<1000x64xf32>
    %add3A_63 = arith.addf %add3A_49, %dot_general3A_62 : vector<1000x64xf32>
    %get3A_64 = arith.constant 4000 : index
    %get3A_65 = arith.constant 0 : index
    %get3A_66 = vector.load %arg2[%get3A_64, %get3A_65] : memref<5000x64xf32, #tpu.memory_space<vmem>>, vector<1000x64xf32>
    %concatenate3A_67 = tpu.concatenate %get3A_66, %get3A_10 in 1 : vector<1000x64xf32>, vector<1000x312xf32> -> vector<1000x376xf32>
    %dot_general3A_68 = arith.constant dense<0.000000e+00> : vector<1000x512xf32>
    %dot_general3A_69 = tpu.matmul %concatenate3A_67, %get3A_1, %dot_general3A_68 {dimension_numbers = #tpu.dot_dimension_numbers<[1], [0], [0], [1], [0, 0, 1, 1], [], []>, transpose_lhs_hint = false} : vector<1000x376xf32>, vector<376x512xf32>, vector<1000x512xf32> -> vector<1000x512xf32>
    %add3A_70 = vector.broadcast %get3A_7 : vector<1x512xf32> to vector<1000x512xf32>
    %add3A_71 = arith.addf %dot_general3A_69, %add3A_70 : vector<1000x512xf32>
    %max3A_72 = arith.constant 0.000000e+00 : f32
    %max3A_73 = vector.broadcast %max3A_72 : f32 to vector<1000x512xf32>
    %max3A_74 = arith.maximumf %add3A_71, %max3A_73 : vector<1000x512xf32>
    %dot_general3A_75 = arith.constant dense<0.000000e+00> : vector<1000x64xf32>
    %dot_general3A_76 = tpu.matmul %max3A_74, %get3A_4, %dot_general3A_75 {dimension_numbers = #tpu.dot_dimension_numbers<[1], [0], [0], [1], [0, 0, 1, 1], [], []>, transpose_lhs_hint = false} : vector<1000x512xf32>, vector<512x64xf32>, vector<1000x64xf32> -> vector<1000x64xf32>
    %add3A_77 = arith.addf %add3A_63, %dot_general3A_76 : vector<1000x64xf32>
    %mul3A = arith.constant 2.000000e-01 : f32
    %mul3A_78 = vector.broadcast %mul3A : f32 to vector<1000x64xf32>
    %mul3A_79 = arith.mulf %add3A_77, %mul3A_78 : vector<1000x64xf32>
    %get3A_80 = arith.constant 0 : index
    %get3A_81 = arith.constant 0 : index
    %get3A_82 = vector.load %arg7[%get3A_80, %get3A_81] : memref<1x64xf32, #tpu.memory_space<vmem>>, vector<1x64xf32>
    %add3A_83 = vector.broadcast %get3A_82 : vector<1x64xf32> to vector<1000x64xf32>
    %add3A_84 = arith.addf %mul3A_79, %add3A_83 : vector<1000x64xf32>
    %broadcast_in_dim3A_85 = arith.constant 0.000000e+00 : f32
    %broadcast_in_dim3A_86 = vector.broadcast %broadcast_in_dim3A_85 : f32 to vector<1000x64xf32>
    %concatenate3A_87 = tpu.concatenate %add3A_84, %broadcast_in_dim3A_86 in 1 : vector<1000x64xf32>, vector<1000x64xf32> -> vector<1000x128xf32>
    %swap3A = arith.constant 0 : index
    %swap3A_88 = arith.constant 0 : index
    %swap3A_89 = vector.load %arg8[%swap3A, %swap3A_88] : memref<1000x128xf32, #tpu.memory_space<vmem>>, vector<1000x128xf32>
    tpu.vector_store %arg8[%swap3A, %swap3A_88], %concatenate3A_87 {strides = array<i32>} : memref<1000x128xf32, #tpu.memory_space<vmem>>, vector<1000x128xf32>,
    %mul3A_90 = arith.mulf %add3A_84, %add3A_84 : vector<1000x64xf32>
    %reduce_sum3A = arith.constant dense<0.000000e+00> : vector<1000xf32>
    %reduce_sum3A_91 = vector.multi_reduction <add>, %mul3A_90, %reduce_sum3A [1] : vector<1000x64xf32> to vector<1000xf32>
    %broadcast_in_dim3A_92 = vector.shape_cast %reduce_sum3A_91 : vector<1000xf32> to vector<1000x1xf32>
    %get3A_93 = arith.constant 0 : index
    %get3A_94 = arith.constant 0 : index
    %get3A_95 = vector.load %arg1[%get3A_93, %get3A_94] : memref<64x1024xf32, #tpu.memory_space<vmem>>, vector<64x1024xf32>
    %dot_general3A_96 = arith.constant dense<0.000000e+00> : vector<1000x1024xf32>
    %dot_general3A_97 = tpu.matmul %add3A_84, %get3A_95, %dot_general3A_96 {dimension_numbers = #tpu.dot_dimension_numbers<[1], [0], [0], [1], [0, 0, 1, 1], [], []>, precision = #tpu.contract_precision<fp32>, transpose_lhs_hint = false} : vector<1000x64xf32>, vector<64x1024xf32>, vector<1000x1024xf32> -> vector<1000x1024xf32>
    %add3A_98 = arith.addf %dot_general3A_97, %dot_general3A_97 : vector<1000x1024xf32>
    %sub3A = vector.broadcast %broadcast_in_dim3A_92 : vector<1000x1xf32> to vector<1000x1024xf32>
    %sub3A_99 = arith.subf %sub3A, %add3A_98 : vector<1000x1024xf32>
    %iota3A = tpu.iota {dimensions = array<i32: 0>} : vector<1000x1024xi32>
    %reduce_min3A = arith.constant dense<0x7F800000> : vector<1024xf32>
    %reduce_min3A_100 = vector.multi_reduction <minimumf>, %sub3A_99, %reduce_min3A [0] : vector<1000x1024xf32> to vector<1024xf32>
    %broadcast_in_dim3A_101 = vector.shape_cast %reduce_min3A_100 : vector<1024xf32> to vector<1x1024xf32>
    %eq3A = vector.broadcast %broadcast_in_dim3A_101 : vector<1x1024xf32> to vector<1000x1024xf32>
    %eq3A_102 = arith.cmpf oeq, %sub3A_99, %eq3A : vector<1000x1024xf32>
    %jit3A = arith.constant 1073741824 : i32
    %broadcast_in_dim3A_103 = vector.broadcast %jit3A : i32 to vector<1000x1024xi32>
    %select_n3A = arith.select %eq3A_102, %iota3A, %broadcast_in_dim3A_103 : vector<1000x1024xi1>, vector<1000x1024xi32>
    %reduce_min3A_104 = arith.constant dense<2147483647> : vector<1024xi32>
    %reduce_min3A_105 = vector.multi_reduction <minsi>, %select_n3A, %reduce_min3A_104 [0] : vector<1000x1024xi32> to vector<1024xi32>
    %broadcast_in_dim3A_106 = vector.shape_cast %reduce_min3A_105 : vector<1024xi32> to vector<1x1024xi32>
    %eq3A_107 = vector.broadcast %broadcast_in_dim3A_106 : vector<1x1024xi32> to vector<1000x1024xi32>
    %eq3A_108 = arith.cmpi eq, %iota3A, %eq3A_107 : vector<1000x1024xi32>
    %jit3A_109 = arith.constant 0x7F800000 : f32
    %broadcast_in_dim3A_110 = vector.broadcast %jit3A_109 : f32 to vector<1000x1024xf32>
    %select_n3A_111 = arith.select %eq3A_108, %broadcast_in_dim3A_110, %sub3A_99 : vector<1000x1024xi1>, vector<1000x1024xf32>
    %reduce_min3A_112 = arith.constant dense<0x7F800000> : vector<1024xf32>
    %reduce_min3A_113 = vector.multi_reduction <minimumf>, %select_n3A_111, %reduce_min3A_112 [0] : vector<1000x1024xf32> to vector<1024xf32>
    %broadcast_in_dim3A_114 = vector.shape_cast %reduce_min3A_113 : vector<1024xf32> to vector<1x1024xf32>
    %eq3A_115 = vector.broadcast %broadcast_in_dim3A_114 : vector<1x1024xf32> to vector<1000x1024xf32>
    %eq3A_116 = arith.cmpf oeq, %select_n3A_111, %eq3A_115 : vector<1000x1024xf32>
    %jit3A_117 = arith.constant 1073741824 : i32
    %broadcast_in_dim3A_118 = vector.broadcast %jit3A_117 : i32 to vector<1000x1024xi32>
    %select_n3A_119 = arith.select %eq3A_116, %iota3A, %broadcast_in_dim3A_118 : vector<1000x1024xi1>, vector<1000x1024xi32>
    %reduce_min3A_120 = arith.constant dense<2147483647> : vector<1024xi32>
    %reduce_min3A_121 = vector.multi_reduction <minsi>, %select_n3A_119, %reduce_min3A_120 [0] : vector<1000x1024xi32> to vector<1024xi32>
    %broadcast_in_dim3A_122 = vector.shape_cast %reduce_min3A_121 : vector<1024xi32> to vector<1x1024xi32>
    %swap3A_123 = arith.constant 0 : index
    %swap3A_124 = arith.constant 0 : index
    %swap3A_125 = vector.load %arg9[%swap3A_123, %swap3A_124] : memref<2x1024xi32, #tpu.memory_space<vmem>>, vector<1x1024xi32>
    tpu.vector_store %arg9[%swap3A_123, %swap3A_124], %broadcast_in_dim3A_106 {strides = array<i32>} : memref<2x1024xi32, #tpu.memory_space<vmem>>, vector<1x1024xi32>,
    %swap3A_126 = arith.constant 1 : index
    %swap3A_127 = arith.constant 0 : index
    %swap3A_128 = vector.load %arg9[%swap3A_126, %swap3A_127] : memref<2x1024xi32, #tpu.memory_space<vmem>>, vector<1x1024xi32>
    tpu.vector_store %arg9[%swap3A_126, %swap3A_127], %broadcast_in_dim3A_122 {strides = array<i32>} : memref<2x1024xi32, #tpu.memory_space<vmem>>, vector<1x1024xi32>,
    return
  }
}

module attributes {stable_mosaic.version = 14 : i64} {
  func.func @_stage3_kernel(%arg0: memref<1024x64xf32, #tpu.memory_space<vmem>>, %arg1: memref<2048x128xf32, #tpu.memory_space<vmem>>, %arg2: memref<2x1024xi32, #tpu.memory_space<vmem>>, %arg3: memref<1024x1000xf32, #tpu.memory_space<vmem>>) attributes {dimension_semantics = [], scalar_prefetch = 0 : i64, scratch_operands = 0 : i64, tpu.core_type = #tpu.core_type<tc>} {
    %get3A = arith.constant 0 : index
    %get3A_0 = arith.constant 0 : index
    %get3A_1 = vector.load %arg0[%get3A, %get3A_0] : memref<1024x64xf32, #tpu.memory_space<vmem>>, vector<1024x64xf32>
    %get3A_2 = arith.constant 0 : index
    %get3A_3 = arith.constant 0 : index
    %get3A_4 = vector.load %arg1[%get3A_2, %get3A_3] : memref<2048x128xf32, #tpu.memory_space<vmem>>, vector<1024x64xf32>
    %get3A_5 = arith.constant 1024 : index
    %get3A_6 = arith.constant 0 : index
    %get3A_7 = vector.load %arg1[%get3A_5, %get3A_6] : memref<2048x128xf32, #tpu.memory_space<vmem>>, vector<1024x64xf32>
    %sub3A = arith.subf %get3A_4, %get3A_1 : vector<1024x64xf32>
    %mul3A = arith.mulf %sub3A, %sub3A : vector<1024x64xf32>
    %reduce_sum3A = arith.constant dense<0.000000e+00> : vector<1024xf32>
    %reduce_sum3A_8 = vector.multi_reduction <add>, %mul3A, %reduce_sum3A [1] : vector<1024x64xf32> to vector<1024xf32>
    %broadcast_in_dim3A = vector.shape_cast %reduce_sum3A_8 : vector<1024xf32> to vector<1024x1xf32>
    %sub3A_9 = arith.subf %get3A_7, %get3A_1 : vector<1024x64xf32>
    %mul3A_10 = arith.mulf %sub3A_9, %sub3A_9 : vector<1024x64xf32>
    %reduce_sum3A_11 = arith.constant dense<0.000000e+00> : vector<1024xf32>
    %reduce_sum3A_12 = vector.multi_reduction <add>, %mul3A_10, %reduce_sum3A_11 [1] : vector<1024x64xf32> to vector<1024xf32>
    %broadcast_in_dim3A_13 = vector.shape_cast %reduce_sum3A_12 : vector<1024xf32> to vector<1024x1xf32>
    %get3A_14 = arith.constant 0 : index
    %get3A_15 = arith.constant 0 : index
    %get3A_16 = vector.load %arg2[%get3A_14, %get3A_15] : memref<2x1024xi32, #tpu.memory_space<vmem>>, vector<1x1024xi32>
    %convert_element_type3A = arith.sitofp %get3A_16 : vector<1x1024xi32> to vector<1x1024xf32>
    %transpose3A = tpu.transpose %convert_element_type3A, [1, 0] : vector<1x1024xf32> -> vector<1024x1xf32>
    %convert_element_type3A_17 = arith.fptosi %transpose3A : vector<1024x1xf32> to vector<1024x1xi32>
    %get3A_18 = arith.constant 1 : index
    %get3A_19 = arith.constant 0 : index
    %get3A_20 = vector.load %arg2[%get3A_18, %get3A_19] : memref<2x1024xi32, #tpu.memory_space<vmem>>, vector<1x1024xi32>
    %convert_element_type3A_21 = arith.sitofp %get3A_20 : vector<1x1024xi32> to vector<1x1024xf32>
    %transpose3A_22 = tpu.transpose %convert_element_type3A_21, [1, 0] : vector<1x1024xf32> -> vector<1024x1xf32>
    %convert_element_type3A_23 = arith.fptosi %transpose3A_22 : vector<1024x1xf32> to vector<1024x1xi32>
    %lt3A = arith.cmpf olt, %broadcast_in_dim3A, %broadcast_in_dim3A_13 : vector<1024x1xf32>
    %lt3A_24 = arith.cmpf olt, %broadcast_in_dim3A_13, %broadcast_in_dim3A : vector<1024x1xf32>
    %min3A = arith.minsi %convert_element_type3A_17, %convert_element_type3A_23 : vector<1024x1xi32>
    %select_n3A = arith.select %lt3A_24, %convert_element_type3A_23, %min3A : vector<1024x1xi1>, vector<1024x1xi32>
    %select_n3A_25 = arith.select %lt3A, %convert_element_type3A_17, %select_n3A : vector<1024x1xi1>, vector<1024x1xi32>
    %iota3A = tpu.iota {dimensions = array<i32: 1>} : vector<1024x1000xi32>
    %eq3A = vector.broadcast %select_n3A_25 : vector<1024x1xi32> to vector<1024x1000xi32>
    %eq3A_26 = arith.cmpi eq, %iota3A, %eq3A : vector<1024x1000xi32>
    %jit3A = arith.constant 1.000000e+06 : f32
    %jit3A_27 = arith.constant 0.000000e+00 : f32
    %broadcast_in_dim3A_28 = vector.broadcast %jit3A : f32 to vector<1024x1000xf32>
    %broadcast_in_dim3A_29 = vector.broadcast %jit3A_27 : f32 to vector<1024x1000xf32>
    %select_n3A_30 = arith.select %eq3A_26, %broadcast_in_dim3A_28, %broadcast_in_dim3A_29 : vector<1024x1000xi1>, vector<1024x1000xf32>
    %swap3A = arith.constant 0 : index
    %swap3A_31 = arith.constant 0 : index
    %swap3A_32 = vector.load %arg3[%swap3A, %swap3A_31] : memref<1024x1000xf32, #tpu.memory_space<vmem>>, vector<1024x1000xf32>
    tpu.vector_store %arg3[%swap3A, %swap3A_31], %select_n3A_30 {strides = array<i32>} : memref<1024x1000xf32, #tpu.memory_space<vmem>>, vector<1024x1000xf32>,
    return
  }
}

</mosaic_0001>

<sc_bundles>
// kernel: kernel.5.cloned.1.call-start
scs
__scs_entry_jumppad:
0x0: {  	(pc) =	sbr.rel $0x88, $3  }
0x1: {  	(tag) =	ssettag $0x0;
	lr =	simm.s32 $0x1  }
0x2: {  	[smem:$0x3F9A] =	sst lr;
	_ =	strace $0xD0000000  }
0x3: {  	_ = 	snop  }
0x4: {  	_ = 	snop  }
0x5: {  	_ = 	snop  }
0x6: {  	_ = 	snop  }
0x7: {  	_ = 	snop  }
__scs_overlays_trampoline_lowered:
0x8: {  	[smem:$0x3FA9] =	sst s0  }
0x9: {  	[smem:$0x3FAA] =	sst s1  }
0xa: {  	[smem:$0x3FAB] =	sst s2  }
0xb: {  	[smem:$0x3FAC] =	sst s3  }
0xc: {  	[smem:$0x3FAD] =	sst s4  }
0xd: {  	[smem:$0x3FAE] =	sst s5  }
0xe: {  	[smem:$0x3FAF] =	sst s6  }
0xf: {  	[smem:$0x3FB0] =	sst s7  }
0x10: {  	[smem:$0x3FB1] =	sst s8  }
0x11: {  	[smem:$0x3FB2] =	sst s9;
	s0 =	simm.s32 @!p0 $0x0  }
0x12: {  	s1 =	sld [smem:$0x3F98];
	s0 =	simm.s32 @p0 $0x1  }
0x13: {  	[smem:$0x3FB3] =	sst s0;
	s0 =	simm.s32 @!p1 $0x0  }
0x14: {  	s2 =	sld [smem:$0x3F97];
	s0 =	simm.s32 @p1 $0x1  }
0x15: {  	[smem:$0x3FB4] =	sst s0;
	s0 =	simm.s32 @!p2 $0x0  }
0x16: {  	s3 =	sld [smem:$0x3FDB];
	s0 =	simm.s32 @p2 $0x1  }
0x17: {  	s4 =	simm.s32 $0x1BF5;
	[smem:$0x3FB6] =	sst s0  }
0x18: {  	s0 =	sld [smem:$0x3F99];
	_ =	swait.ge [sflag:s4], $0x0  }
0x19: {  	s7 =	sld [smem:$0x3F9A]  }
0x1a: {  	s8 =	sadd.s32 $0xFFFFE003, lr  }
0x1b: {  	s9 =	sadd.s32 $0xFFFFFEF7, lr;
	s5 =	simm.s32 $0xFFFFFFFF;
	p2 =	slt.u32 s8, $0xFFFFF086  }
0x1c: {  	p1 =	slt.u32 s9, $0xF7A;
	s5 =	simm.s32 @!p2 $0x0  }
0x1d: {  	s5 =	simm.s32 @p1 $0x1;
	p0 =	seq.s32 s7, s2  }
0x1e: {  	s7 =	smul.u32 @!p0 $0xF7A, s2;
	p2 =	seq.s32 @!p0 s5, $0x0  }
0x1f: {  	s9 =	smul.u32 $0xF7A, s1;
	s8 =	simm.s32 @!p0 $0x1BF5;
	p2 =	por !p2, p0  }
0x20: {  	[sflag:s8] =	ssyncset.s32 @!p0 $0xFFFFF086;
	s6 =	sadd.s32 @!p0 s3, s7;
	s7 =	simm.s32 @!p0 $0x108  }
0x21: {  	s3 =	sadd.s32 s3, s9;
	s6 =	sadd.s32 @!p0 $0x88, s6;
	s7 =	simm.s32 @p2 $0x1082  }
0x22: {  	[simem:s7], [sflag:s8] =	dma.local @!p0 [hbm:s6], $0xF7A  }
0x23: {  	s9 =	sor.u32 $0xD0000000, s2;
	s6 =	simm.s32 $0x108;
	_ =	swait.ge @!p0 [sflag:s8], $0x0  }
0x24: {  	s3 =	sadd.s32 $0x88, s3;
	s6 =	simm.s32 @!p1 $0x1082;
	[sflag:s4] =	ssyncset.s32 $0xFFFFF086  }
0x25: {  	[simem:s6], [sflag:s4] =	dma.local [hbm:s3], $0xF7A  }
0x26: {  	[smem:$0x3F9A] =	sst s1;
	(tag) =	ssettag s2;
	_ =	strace s9  }
0x27: {  	s1 =	sld [smem:$0x3FAA]  }
0x28: {  	s2 =	sld [smem:$0x3FAB]  }
0x29: {  	s4 =	sld [smem:$0x3FAD]  }
0x2a: {  	p0 =	seq.s32 s5, $0x0;
	s5 =	sld [smem:$0x3FAE]  }
0x2b: {  	s6 =	sld [smem:$0x3FAF]  }
0x2c: {  	s7 =	sld [smem:$0x3FB0]  }
0x2d: {  	s3 =	simm.s32 $0x108;
	s8 =	sld [smem:$0x3FB1]  }
0x2e: {  	s3 =	simm.s32 @!p0 $0x1082;
	s9 =	sld [smem:$0x3FB2]  }
0x2f: {  	lr =	sadd.s32 s0, s3;
	s0 =	sld [smem:$0x3FA9]  }
0x30: {  	s3 =	sld [smem:$0x3FAC]  }
0x31: {  	[smem:$0x3FB5] =	sst s10  }
0x32: {  	s10 =	sld [smem:$0x3FB3];
	_ =	sdelay $0x3  }
0x33: {  	p0 =	seq.s32 s10, $0x1;
	s10 =	sld [smem:$0x3FB5];
	_ =	sdelay $0x3  }
0x34: {  	[smem:$0x3FB5] =	sst s10  }
0x35: {  	s10 =	sld [smem:$0x3FB4];
	_ =	sdelay $0x3  }
0x36: {  	p1 =	seq.s32 s10, $0x1;
	s10 =	sld [smem:$0x3FB5];
	_ =	sdelay $0x3  }
0x37: {  	[smem:$0x3FB5] =	sst s10  }
0x38: {  	s10 =	sld [smem:$0x3FB6]  }
0x39: {  	_ = 	snop;
	(pc) =	sbr.ind lr, $3  }
0x3a: {  	_ = 	snop  }
0x3b: {  	_ = 	snop  }
0x3c: {  	p2 =	seq.s32 s10, $0x1;
	s10 =	sld [smem:$0x3FB5]  }
0x3d: {  	_ =	shalt  }
0x3e: {  	_ =	shalt  }
0x3f: {  	_ =	shalt  }
0x40: {  	_ =	shalt  }
0x41: {  	_ =	shalt  }
0x42: {  	_ =	shalt  }
0x43: {  	_ =	shalt  }
0x44: {  	_ =	shalt  }
0x45: {  	_ =	shalt  }
0x46: {  	_ =	shalt  }
0x47: {  	_ =	shalt  }
0x48: {  	_ =	shalt  }
0x49: {  	_ =	shalt  }
0x4a: {  	_ =	shalt  }
0x4b: {  	_ =	shalt  }
0x4c: {  	_ =	shalt  }
0x4d: {  	_ =	shalt  }
0x4e: {  	_ =	shalt  }
0x4f: {  	_ =	shalt  }
0x50: {  	_ =	shalt  }
0x51: {  	_ =	shalt  }
0x52: {  	_ =	shalt  }
0x53: {  	_ =	shalt  }
0x54: {  	_ =	shalt  }
0x55: {  	_ =	shalt  }
0x56: {  	_ =	shalt  }
0x57: {  	_ =	shalt  }
0x58: {  	_ =	shalt  }
0x59: {  	_ =	shalt  }
0x5a: {  	_ =	shalt  }
0x5b: {  	_ =	shalt  }
0x5c: {  	_ =	shalt  }
0x5d: {  	_ =	shalt  }
0x5e: {  	_ =	shalt  }
0x5f: {  	_ =	shalt  }
0x60: {  	_ =	shalt  }
0x61: {  	_ =	shalt  }
0x62: {  	_ =	shalt  }
0x63: {  	_ =	shalt  }
0x64: {  	_ =	shalt  }
0x65: {  	_ =	shalt  }
0x66: {  	_ =	shalt  }
0x67: {  	_ =	shalt  }
0x68: {  	_ =	shalt  }
0x69: {  	_ =	shalt  }
0x6a: {  	_ =	shalt  }
0x6b: {  	_ =	shalt  }
0x6c: {  	_ =	shalt  }
0x6d: {  	_ =	shalt  }
0x6e: {  	_ =	shalt  }
0x6f: {  	_ =	shalt  }
0x70: {  	_ =	shalt  }
0x71: {  	_ =	shalt  }
0x72: {  	_ =	shalt  }
0x73: {  	_ =	shalt  }
0x74: {  	_ =	shalt  }
0x75: {  	_ =	shalt  }
0x76: {  	_ =	shalt  }
0x77: {  	_ =	shalt  }
0x78: {  	_ =	shalt  }
0x79: {  	_ =	shalt  }
0x7a: {  	_ =	shalt  }
0x7b: {  	_ =	shalt  }
0x7c: {  	_ =	shalt  }
0x7d: {  	_ =	shalt  }
0x7e: {  	_ =	shalt  }
0x7f: {  	_ =	shalt  }
0x80: {  	_ =	shalt  }
0x81: {  	_ =	shalt  }
0x82: {  	_ =	shalt  }
0x83: {  	_ =	shalt  }
0x84: {  	_ =	shalt  }
0x85: {  	_ =	shalt  }
0x86: {  	_ =	shalt  }
0x87: {  	_ =	shalt  }
.Lfunc_end0:
.L_simem_size_0:
called_computation_lowered:
.L_overlay_start_0:
0x88: {  	s2 =	sld [smem:$0x3FD9]  }
0x89: {  	s3 =	sld [smem:$0x3FFE];
	_ =	sdelay $0x1  }
0x8a: {  	s1 =	srdreg.scid  }
0x8b: {  	s0 =	sand.u32 $0x1, s1  }
0x8c: {  	s17 =	sshll.u32 s0, $0xA;
	s2 =	sadd.s32 s3, s2  }
0x8d: {  	s2 =	sadd.s32 s2, s17  }
0x8e: {  	[smem:$0x3FC1] =	sst s2  }
0x8f: {  	_ = 	snop  }
0x90: {  	s2 =	sld [smem:$0x3FD0];
	(tm) =	ssettm $0x1  }
0x91: {  	s18 =	sld [smem:$0x3FFB];
	_ =	sdelay $0x3  }
0x92: {  	_ =	strace s18  }
0x93: {  	s3 =	sld [smem:$0x3FFC];
	_ =	sdelay $0x3  }
0x94: {  	_ =	strace s3  }
0x95: {  	s3 =	sld [smem:$0x3FFD];
	_ =	sdelay $0x3  }
0x96: {  	_ =	strace s3  }
0x97: {  	_ =	strace $0x8FFFFFFF  }
0x98: {  	s19 =	sld [smem:$0x3FDB];
	_ =	sdelay $0x1  }
0x99: {  	s4 =	simm.s32 $_scs_section_size  }
0x9a: {  	s5 =	simm.s32 $_size__tile_overlayer_lowered;
	s6 =	simm.s32 $_tile_overlayer_lowered  }
0x9b: {  	s22 =	simm.s32 $0x1BFF;
	s21 =	sshll.u32 s6, $0x1;
	s3 =	sadd.s32 s4, s19  }
0x9c: {  	s7 =	simm.s32 $0x0;
	s20 =	sshll.u32 s5, $0x1;
	s5 =	sadd.s32 s21, s3  }
0x9d: {  	[timem:s7], [sflag:s22] =	dma.local [hbm:s5], s20  }
0x9e: {  	_ =	swait.ge [sflag:s22], s20  }
0x9f: {  	s4 =	ssub.s32 $0x0, s20;
	[sflag:s22] =	ssyncset.done $0x0  }
0xa0: {  	[sflag:s22] =	ssyncadd.s32 s4;
	_ =	sdelay $0x1  }
0xa1: {  	s23 =	simm.s32 $0x1B8B  }
0xa2: {  	_ =	swait.ge [sflag:s23], $0x1  }
0xa3: {  	[sflag:s23] =	ssyncset.done $0x0  }
0xa4: {  	s25 =	simm.s32 $0x1B8E;
	s24 =	sld [smem:$0x3FFE];
	[sflag:s23] =	ssyncadd.s32 $0xFFFFFFFF  }
0xa5: {  	s26 =	simm.s32 $execute0_lowered;
	[smem:$0x3FD2] =	sst s25  }
0xa6: {  	s5 =	sshll.u32 s26, $0x1;
	_ =	strace $0x80000046;
	[dreg:$0x1] =	wrdreg $0xFFFFFFFF  }
0xa7: {  	s28 =	simm.s32 $_size_execute0_lowered;
	s3 =	sadd.s32 s3, s5;
	[dreg:$0x0] =	wrdreg $0x0  }
0xa8: {  	s5 =	sshll.u32 s28, $0x1;
	[dreg:$0x2] =	wrdreg s3  }
0xa9: {  	[dreg:$0x3] =	wrdreg s5  }
0xaa: {  	[dreg:$0x4] =	wrdreg $0xC0  }
0xab: {  	_ =	task [dreg:s7], $0x5FFFF  }
0xac: {  	[dreg:$0x1] =	wrdreg $0xFFFFFFFF  }
0xad: {  	[dreg:$0x0] =	wrdreg $0x60  }
0xae: {  	[dreg:$0x2] =	wrdreg s24  }
0xaf: {  	[dreg:$0x3] =	wrdreg s2  }
0xb0: {  	[dreg:$0x4] =	wrdreg $0x9  }
0xb1: {  	_ =	task.clear_ibuf [dreg:s7], $0x5FFFF;
	_ =	strace $0x90000046  }
0xb2: {  	s29 =	simm.s32 $0x9;
	_ =	strace $0x80000048  }
0xb3: {  	_ =	swait.ge [sflag:s29], $0x1  }
0xb4: {  	[sflag:s29] =	ssyncadd.s32 $0xFFFFFFFF  }
0xb5: {  	_ =	strace $0x90000048  }
0xb6: {  	_ =	sfence  }
0xb7: {  	s30 =	sld [smem:$0x0];
	_ =	sdelay $0x2  }
0xb8: {  	s31 =	sshll.u32 s1, $0xD;
	s1 =	sshrl.u32 s1, $0x2  }
0xb9: {  	s3 =	sand.u32 $0x4000, s31;
	s1 =	sadd.s32 s1, s30  }
0xba: {  	s0 =	sor.u32 s3, s0;
	s1 =	sshll.u32 s1, $0x11  }
0xbb: {  	s0 =	sor.u32 s1, s0  }
0xbc: {  	s0 =	sadd.s32 $0x8F2B, s0  }
0xbd: {  	[sflag:s0] =	ssyncadd.remote.s32 $0x1  }
0xbe: {  	_ =	sfence.sel $0xFFFF  }
0xbf: {  	[dreg:$0x0] =	wrdreg $0xFFFFFFFF;
	(pc) =	sbr.abs _section_cstart, $3  }
0xc0: {  	[dreg:$0x1] =	wrdreg $0xFFFFFFFF  }
0xc1: {  	_ =	task.clear_ibuf [dreg:s7], $0x2FFFF;
	_ =	strace $0x9FFFFFFF  }
0xc2: {  	(tm) =	ssettm $0x7FFFFFFF  }
0xc3: {  	_ =	shalt  }
tec
execute0_lowered:
.L_overlay_start_1:
0x0: {  	(tag) =	ssettag $0x1  }
0x1: {  	s1 =	srdreg.scid  }
0x2: {  	s0 =	stileid.u32;
	s6 =	sand.u32 $0x1, s1  }
0x3: {  	s5 =	rddreg [dreg:$0x0];
	s30 =	sshll.u32 s0, $0x7;
	s2 =	sshll.u32 s6, $0x6  }
0x4: {  	s9 =	rddreg [dreg:$0x1];
	s7 =	simm.s32 $0x80;
	s10 =	sor.u32 s2, s30  }
0x5: {  	s1 =	rddreg [dreg:$0x2];
	s2 =	simm.s32 $0x0;
	s3 =	sshrl.u32 s10, $0x3  }
0x6: {  	s11 =	ssub.s32 $0x2, s6;
	[smem:$0x7FF] =	sst s2;
	s3 =	sadd.s32 s3, s5  }
0x7: {  	_ =	strace $0x80000047;
	s4 =	sadd.s32 $0x800, s3;
	s3 =	simm.s32 $0x2  }
0x8: {  	[tilespmem:s2], [sflag:$0x2] =	stream.linear.gather [hbm4b:s4+s2], $0x40, $0x38;
	[tilespmem:$0x2080] =	vst v63  }
0x9: {  	s8 =	simm.s32 $0x1;
	s12 =	sshrl.u32 s11, $0x1;
	_ =	swait.ge [sflag:s3], $0x40  }
0xa: {  	s6 =	simm.s32 $0x40;
	s11 =	ssub.s32 s11, s12;
	[sflag:s3] =	ssyncset.done $0x0  }
0xb: {  	s5 =	sadd.s32 $0x12400, s5;
	s31 =	smax.u32 s11, $0x1;
	[sflag:s3] =	ssyncadd.s32 $0xFFFFFFC0  }
0xc: {  	[tilespmem:s7], [sflag:$0x1] =	stream.indirect.gather [hbm4b:s5+s6], $0x80, s2, s6, $0xb8;
	[tilespmem:$0x2080] =	vst v63  }
0xd: {  	p0 =	sne.s32 s31, $0x1;
	_ =	swait.ge [sflag:s8], $0x2000  }
.Ltmp0:
0xe: {  	s10 =	sshll.u32 s10, $0x4;
	[sflag:s8] =	ssyncset.done $0x0;
	(pc) =	sbr.rel @!p0 .LBB2_2-.Ltmp0, $4  }
0xf: {  	s9 =	sadd.s32 s9, s10;
	[sflag:s8] =	ssyncadd.s32 $0xFFFFE000  }
0x10: {  	[hbm4b:s9+s2] =	stream.linear.scatter [tilespmem:s7], [sflag:$0x2], $0x2000, $0x38;
	[tilespmem:$0x2080] =	vst v63  }
0x11: {  	_ =	swait.ge [sflag:s3], $0x2000  }
0x12: {  	s10 =	sadd.s32 $0xFFFFFFFF, s31;
	[sflag:s3] =	ssyncset.done $0x0  }
.LBB2_1:
0x13: {  	p0 =	sne.s32 s10, $0x1;
	s10 =	sadd.s32 $0xFFFFFFFF, s10;
	[sflag:s3] =	ssyncadd.s32 $0xFFFFE000  }
0x14: {  	[tilespmem:s2], [sflag:$0x2] =	stream.linear.gather [hbm4b:s4+s2], $0x40, $0x38;
	[tilespmem:$0x2080] =	vst v63  }
0x15: {  	_ =	swait.ge [sflag:s3], $0x40  }
0x16: {  	[sflag:s3] =	ssyncset.done $0x0  }
0x17: {  	[sflag:s3] =	ssyncadd.s32 $0xFFFFFFC0  }
0x18: {  	[tilespmem:s7], [sflag:$0x1] =	stream.indirect.gather [hbm4b:s5+s6], $0x80, s2, s6, $0xb8;
	[tilespmem:$0x2080] =	vst v63  }
0x19: {  	_ =	swait.ge [sflag:s8], $0x2000  }
.Ltmp1:
0x1a: {  	[sflag:s8] =	ssyncset.done $0x0;
	(pc) =	sbr.rel @p0 .LBB2_1-.Ltmp1, $4  }
0x1b: {  	[sflag:s8] =	ssyncadd.s32 $0xFFFFE000  }
0x1c: {  	[hbm4b:s9+s2] =	stream.linear.scatter [tilespmem:s7], [sflag:$0x2], $0x2000, $0x38;
	[tilespmem:$0x2080] =	vst v63  }
0x1d: {  	_ =	swait.ge [sflag:s3], $0x2000  }
0x1e: {  	[sflag:s3] =	ssyncset.done $0x0  }
.LBB2_2:
0x1f: {  	[sflag:s3] =	ssyncadd.s32 $0xFFFFE000  }
0x20: {  	_ =	sfence.sel $0x180000  }
0x21: {  	[bflag:$0x0] =	sbarrier.arrive $0xFFFF  }
0x22: {  	p0 =	sne.s32 s0, $0x0;
	_ =	strace $0x90000047  }
0x23: {  	s0 =	sadd.s32 @!p0 $0x100000, s1;
	[bflag:$0x2] =	sbarrier.arrive $0xFFFF  }
0x24: {  	[sflag:s0] =	ssyncadd.tile.s32 @!p0 $0x1;
	_ =	shalt  }
.Lfunc_end2:
_tile_overlayer_lowered:
.L_overlay_start_2:
0x25: {  	(tag) =	ssettag $0x2  }
0x26: {  	s0 =	rddreg [dreg:$0x0];
	s2 =	stileid.u32  }
0x27: {  	s1 =	rddreg [dreg:$0x1];
	p0 =	sne.s32 s2, $0x0  }
0x28: {  	s3 =	rddreg [dreg:$0x2];
	[bflag:$0x3] =	sbarrier.arrive $0xFFFF;
	s2 =	simm.s32 @!p0 $0x1C02  }
0x29: {  	[timem:s3], [sflag:s2] =	dma.local @!p0 [hbm:s0], s1  }
0x2a: {  	s0 =	simm.s32 @!p0 $0x2  }
0x2b: {  	_ =	swait.ge @!p0 [sflag:s0], s1  }
0x2c: {  	s1 =	ssub.s32 @!p0 $0x0, s1;
	[sflag:s0] =	ssyncset.done @!p0 $0x0  }
0x2d: {  	[sflag:s0] =	ssyncadd.s32 @!p0 s1  }
0x2e: {  	[bflag:$0x3] =	sbarrier.arrive $0xFFFF  }
0x2f: {  	_ =	shalt  }

</sc_bundles>
